<compile_context>
chip_gen: v7x
topology: tpu7x:2x2x1
jax: 0.10.2.dev20260603
libtpu: 0.0.44.dev20260713+nightly
codegen_flags: <defaults>
</compile_context>

<pallas_src>
import math
import functools

import numpy as np
import jax
import jax.numpy as jnp
from jax import lax
from jax.experimental import pallas as pl
from jax.experimental.pallas import tpu as pltpu
from jax.experimental.pallas import tpu_sc as plsc

_POS_LEN = 2048
_LANES = 16
_NC = 2
_NS = 16
_NW = _NC * _NS
_CHUNK = 128


def _positional_table(length, depth):
    half = depth / 2
    positions = np.arange(length)[:, np.newaxis].astype(np.float64)
    depths = np.arange(half)[np.newaxis, :] / half
    angle_rates = 1 / 10000 ** depths
    angle_rads = positions * angle_rates
    enc = np.concatenate([np.sin(angle_rads), np.cos(angle_rads)], axis=-1)
    return jnp.asarray(enc, dtype=jnp.float32)


@functools.lru_cache(maxsize=None)
def _build(batch, seq, vocab, depth):
    n_flat = batch * seq
    bpw = n_flat // _NW
    n_chunk = bpw // _CHUNK
    wps = seq // bpw
    vregs_per_row = depth // _LANES
    scale = jnp.float32(math.sqrt(float(depth)))

    mesh = plsc.VectorSubcoreMesh(
        core_axis_name="c", subcore_axis_name="s",
        num_cores=_NC, num_subcores=_NS,
    )

    @functools.partial(
        pl.kernel,
        out_type=jax.ShapeDtypeStruct((batch, seq, depth), jnp.float32),
        mesh=mesh,
        scratch_types=[
            pltpu.VMEM((bpw,), jnp.int32),
            pltpu.VMEM((bpw, depth), jnp.float32),
            pltpu.VMEM((bpw, depth), jnp.float32),
            [pltpu.SemaphoreType.DMA] * 2,
            [pltpu.SemaphoreType.DMA] * 2,
            pltpu.SemaphoreType.DMA,
        ],
    )
    def body(x_hbm, table_hbm, pos_hbm, out_hbm, idx_v, rows_v, pos_v,
             gsems, psems, ssem):
        wid = lax.axis_index("s") * _NC + lax.axis_index("c")
        b = lax.div(wid, wps)
        s0 = lax.rem(wid, wps) * bpw
        pltpu.sync_copy(x_hbm.at[b, pl.ds(s0, bpw)], idx_v)
        gathers = [
            pltpu.async_copy(
                table_hbm.at[idx_v.at[pl.ds(c * _CHUNK, _CHUNK)]],
                rows_v.at[pl.ds(c * _CHUNK, _CHUNK)],
                gsems[c],
            )
            for c in range(n_chunk)
        ]
        pos_copies = [
            pltpu.async_copy(
                pos_hbm.at[pl.ds(s0 + c * _CHUNK, _CHUNK)],
                pos_v.at[pl.ds(c * _CHUNK, _CHUNK)],
                psems[c],
            )
            for c in range(n_chunk)
        ]

        stores = []
        for c in range(n_chunk):
            gathers[c].wait()
            pos_copies[c].wait()

            @plsc.parallel_loop(c * _CHUNK, (c + 1) * _CHUNK, unroll=1)
            def _(i):
                for j in range(vregs_per_row):
                    sl = pl.ds(j * _LANES, _LANES)
                    plsc.addupdate(pos_v.at[i, sl], rows_v[i, sl] * scale)

            stores.append(
                pltpu.async_copy(
                    pos_v.at[pl.ds(c * _CHUNK, _CHUNK)],
                    out_hbm.at[b].at[pl.ds(s0 + c * _CHUNK, _CHUNK)],
                    ssem,
                )
            )
        for st in stores:
            st.wait()

    return body


def kernel(x, table):
    batch, seq = x.shape
    vocab, depth = table.shape
    pos = _positional_table(_POS_LEN, depth)[:seq]
    body = _build(batch, seq, vocab, depth)
    return body(x, table, pos)

# --- scband reference (transcript-rebuilt; emitter-appended) ---
"""Pipeline reference for scband-positional-encoding-28973849379201 (READ-ONLY COPY).

The authoritative reference and input builder live on the scoring server;
editing this copy changes nothing except your own understanding.
"""

import jax, jax.numpy as jnp
import numpy as np

D_MODEL = 128
VOCAB = 1000000
POS_LEN = 2048
BATCH = 4
SEQ = 2048


def _positional_encoding(length, depth):
    half = depth / 2
    positions = np.arange(length)[:, np.newaxis].astype(np.float64)
    depths = np.arange(half)[np.newaxis, :] / half
    angle_rates = 1 / 10000 ** depths
    angle_rads = positions * angle_rates
    pos_encoding = np.concatenate([np.sin(angle_rads), np.cos(angle_rads)], axis=-1)
    return jnp.asarray(pos_encoding, dtype=jnp.float32)


def setup_inputs(seed: int = 0) -> dict:
    key = jax.random.key(seed)
    k1, k2 = jax.random.split(key)
    x = jax.random.randint(k1, (BATCH, SEQ), 0, VOCAB, dtype=jnp.int32)
    table = jax.random.normal(k2, (VOCAB, D_MODEL), dtype=jnp.float32) * 0.02
    return {"x": x, "table": table}


def reference(x, table):
    pos_encoding = _positional_encoding(POS_LEN, D_MODEL)
    length = x.shape[1]
    emb = jnp.take(table, x, axis=0)
    emb = emb * jnp.sqrt(jnp.asarray(D_MODEL, dtype=jnp.float32))
    out = emb + pos_encoding[jnp.newaxis, :length, :]
    return out

if __name__ == "__main__":
    import jax
    _d = setup_inputs()
    print(jax.jit(kernel)(*tuple(_d.values())))

</pallas_src>

<mosaic_0001>
#map = affine_map<(d0, d1) -> (0, 0)>
#map1 = affine_map<(d0, d1) -> (0)>
#map2 = affine_map<(d0, d1) -> (0, 0, 0)>
module attributes {stable_mosaic.version = 14 : i64} {
  func.func @_rewritten_body(%arg0: i32, %arg1: i32, %arg2: memref<4x2048xi32, #tpu.memory_space<hbm>>, %arg3: memref<1000000x128xf32, #tpu.memory_space<hbm>>, %arg4: memref<2048x128xf32, #tpu.memory_space<hbm>>, %arg5: memref<1xf32, #tpu.memory_space<hbm>>, %arg6: memref<4x2048x128xf32, #tpu.memory_space<hbm>>, %arg7: memref<256xi32, #tpu.memory_space<vmem>>, %arg8: memref<256x128xf32, #tpu.memory_space<vmem>>, %arg9: memref<256x128xf32, #tpu.memory_space<vmem>>, %arg10: memref<!tpu.dma_semaphore, #tpu.memory_space<semaphore_mem>>, %arg11: memref<!tpu.dma_semaphore, #tpu.memory_space<semaphore_mem>>, %arg12: memref<!tpu.dma_semaphore, #tpu.memory_space<semaphore_mem>>, %arg13: memref<!tpu.dma_semaphore, #tpu.memory_space<semaphore_mem>>, %arg14: memref<!tpu.dma_semaphore, #tpu.memory_space<semaphore_mem>>) attributes {dimension_semantics = [#tpu.dimension_semantics<core_parallel>, #tpu.dimension_semantics<subcore_parallel>], iteration_bounds = array<i64: 2, 16>, scalar_prefetch = 0 : i64, scratch_operands = 8 : i64, tpu.core_type = #tpu.core_type<sc_vector_subcore>, window_params = [{transform_indices = #map}, {transform_indices = #map}, {transform_indices = #map}, {transform_indices = #map1}, {transform_indices = #map2}]} {
    %empty_ref3A = memref.alloca() : memref<16xf32, #tpu.memory_space<vmem>>
    "tpu.region"() ({
      %run_scoped3A = tpu.sem_alloc : memref<!tpu.dma_semaphore, #tpu.memory_space<semaphore_mem>>
      %dma_start3A_162 = arith.constant 0 : i32
      %dma_start3A_163 = tpu.memref_slice %empty_ref3A[%dma_start3A_162] : memref<16xf32, #tpu.memory_space<vmem>> -> memref<1xf32, #tpu.memory_space<vmem>>
      %dma_start3A_164 = arith.constant 0 : i32
      %dma_start3A_165 = tpu.memref_slice %empty_ref3A[%dma_start3A_164] : memref<16xf32, #tpu.memory_space<vmem>> -> memref<1xf32, #tpu.memory_space<vmem>>
      tpu.enqueue_dma source(%arg5 : memref<1xf32, #tpu.memory_space<hbm>>) target(%dma_start3A_165 : memref<1xf32, #tpu.memory_space<vmem>>) target_semaphore(%run_scoped3A : memref<!tpu.dma_semaphore, #tpu.memory_space<semaphore_mem>>)
      %dma_wait3A_166 = arith.constant 0 : i32
      %dma_wait3A_167 = tpu.memref_slice %empty_ref3A[%dma_wait3A_166] : memref<16xf32, #tpu.memory_space<vmem>> -> memref<1xf32, #tpu.memory_space<vmem>>
      %dma_wait3A_168 = arith.constant 0 : i32
      %dma_wait3A_169 = tpu.memref_slice %empty_ref3A[%dma_wait3A_168] : memref<16xf32, #tpu.memory_space<vmem>> -> memref<1xf32, #tpu.memory_space<vmem>>
      tpu.wait_dma2 semaphore(%run_scoped3A : memref<!tpu.dma_semaphore, #tpu.memory_space<semaphore_mem>>) src(%arg5 : memref<1xf32, #tpu.memory_space<hbm>>) dst(%dma_wait3A_169 : memref<1xf32, #tpu.memory_space<vmem>>)
      tpu.yield
    }) : () -> ()
    %get3A = arith.constant 0 : index
    %get3A_0 = tpu.vector_load %empty_ref3A[%get3A] {strides = array<i32>} : memref<16xf32, #tpu.memory_space<vmem>>, vector<16xf32>,
    %get3A_1 = vector.shape_cast %get3A_0 : vector<16xf32> to vector<16xf32>
    %slice3A = vector.extract_strided_slice %get3A_1 {offsets = [0], sizes = [1], strides = [1]} : vector<16xf32> to vector<1xf32>
    %squeeze3A = vector.extract %slice3A[0] : f32 from vector<1xf32>
    %mul3A = arith.constant 2 : i32
    %mul3A_2 = arith.muli %arg1, %mul3A : i32
    %add3A = arith.addi %mul3A_2, %arg0 : i32
    %div3A = arith.constant 8 : i32
    %div3A_3 = arith.divsi %add3A, %div3A : i32
    %rem3A = arith.constant 8 : i32
    %rem3A_4 = arith.remsi %add3A, %rem3A : i32
    %mul3A_5 = arith.constant 256 : i32
    %mul3A_6 = arith.muli %rem3A_4, %mul3A_5 : i32
    "tpu.region"() ({
      %run_scoped3A = tpu.sem_alloc : memref<!tpu.dma_semaphore, #tpu.memory_space<semaphore_mem>>
      %dma_start3A_162 = tpu.memref_slice %arg2[%div3A_3, %mul3A_6] : memref<4x2048xi32, #tpu.memory_space<hbm>> -> memref<1x256xi32, #tpu.memory_space<hbm>>
      %dma_start3A_163 = tpu.memref_squeeze %dma_start3A_162 : memref<1x256xi32, #tpu.memory_space<hbm>> -> memref<256xi32, #tpu.memory_space<hbm>>
      %dma_start3A_164 = tpu.memref_slice %arg2[%div3A_3, %mul3A_6] : memref<4x2048xi32, #tpu.memory_space<hbm>> -> memref<1x256xi32, #tpu.memory_space<hbm>>
      %dma_start3A_165 = tpu.memref_squeeze %dma_start3A_164 : memref<1x256xi32, #tpu.memory_space<hbm>> -> memref<256xi32, #tpu.memory_space<hbm>>
      tpu.enqueue_dma source(%dma_start3A_165 : memref<256xi32, #tpu.memory_space<hbm>>) target(%arg7 : memref<256xi32, #tpu.memory_space<vmem>>) target_semaphore(%run_scoped3A : memref<!tpu.dma_semaphore, #tpu.memory_space<semaphore_mem>>)
      %dma_wait3A_166 = tpu.memref_slice %arg2[%div3A_3, %mul3A_6] : memref<4x2048xi32, #tpu.memory_space<hbm>> -> memref<1x256xi32, #tpu.memory_space<hbm>>
      %dma_wait3A_167 = tpu.memref_squeeze %dma_wait3A_166 : memref<1x256xi32, #tpu.memory_space<hbm>> -> memref<256xi32, #tpu.memory_space<hbm>>
      %dma_wait3A_168 = tpu.memref_slice %arg2[%div3A_3, %mul3A_6] : memref<4x2048xi32, #tpu.memory_space<hbm>> -> memref<1x256xi32, #tpu.memory_space<hbm>>
      %dma_wait3A_169 = tpu.memref_squeeze %dma_wait3A_168 : memref<1x256xi32, #tpu.memory_space<hbm>> -> memref<256xi32, #tpu.memory_space<hbm>>
      tpu.wait_dma2 semaphore(%run_scoped3A : memref<!tpu.dma_semaphore, #tpu.memory_space<semaphore_mem>>) src(%dma_wait3A_169 : memref<256xi32, #tpu.memory_space<hbm>>) dst(%arg7 : memref<256xi32, #tpu.memory_space<vmem>>)
      tpu.yield
    }) : () -> ()
    %dma_start3A = arith.constant 0 : i32
    %dma_start3A_7 = arith.constant 0 : i32
    %dma_start3A_8 = tpu.memref_slice %arg8[%dma_start3A, %dma_start3A_7] : memref<256x128xf32, #tpu.memory_space<vmem>> -> memref<128x128xf32, #tpu.memory_space<vmem>>
    %dma_start3A_9 = arith.constant 0 : i32
    %dma_start3A_10 = tpu.memref_slice %arg7[%dma_start3A_9] : memref<256xi32, #tpu.memory_space<vmem>> -> memref<128xi32, #tpu.memory_space<vmem>>
    %dma_start3A_11 = arith.constant 0 : i32
    %dma_start3A_12 = arith.constant 0 : i32
    %dma_start3A_13 = tpu.memref_slice %arg3[%dma_start3A_11, %dma_start3A_12] : memref<1000000x128xf32, #tpu.memory_space<hbm>> -> memref<1000000x128xf32, #tpu.memory_space<hbm>>
    tpu.enqueue_indirect_dma source(%dma_start3A_13 : memref<1000000x128xf32, #tpu.memory_space<hbm>>) target(%dma_start3A_8 : memref<128x128xf32, #tpu.memory_space<vmem>>) offsets(%dma_start3A_10 : memref<128xi32, #tpu.memory_space<vmem>>) semaphore(%arg10 : memref<!tpu.dma_semaphore, #tpu.memory_space<semaphore_mem>>)
    %dma_start3A_14 = arith.constant 128 : i32
    %dma_start3A_15 = arith.constant 0 : i32
    %dma_start3A_16 = tpu.memref_slice %arg8[%dma_start3A_14, %dma_start3A_15] : memref<256x128xf32, #tpu.memory_space<vmem>> -> memref<128x128xf32, #tpu.memory_space<vmem>>
    %dma_start3A_17 = arith.constant 128 : i32
    %dma_start3A_18 = tpu.memref_slice %arg7[%dma_start3A_17] : memref<256xi32, #tpu.memory_space<vmem>> -> memref<128xi32, #tpu.memory_space<vmem>>
    %dma_start3A_19 = arith.constant 0 : i32
    %dma_start3A_20 = arith.constant 0 : i32
    %dma_start3A_21 = tpu.memref_slice %arg3[%dma_start3A_19, %dma_start3A_20] : memref<1000000x128xf32, #tpu.memory_space<hbm>> -> memref<1000000x128xf32, #tpu.memory_space<hbm>>
    tpu.enqueue_indirect_dma source(%dma_start3A_21 : memref<1000000x128xf32, #tpu.memory_space<hbm>>) target(%dma_start3A_16 : memref<128x128xf32, #tpu.memory_space<vmem>>) offsets(%dma_start3A_18 : memref<128xi32, #tpu.memory_space<vmem>>) semaphore(%arg11 : memref<!tpu.dma_semaphore, #tpu.memory_space<semaphore_mem>>)
    %add3A_22 = arith.constant 0 : i32
    %add3A_23 = arith.addi %mul3A_6, %add3A_22 : i32
    %dma_start3A_24 = arith.constant 0 : i32
    %dma_start3A_25 = arith.constant 0 : i32
    %dma_start3A_26 = tpu.memref_slice %arg9[%dma_start3A_24, %dma_start3A_25] : memref<256x128xf32, #tpu.memory_space<vmem>> -> memref<128x128xf32, #tpu.memory_space<vmem>>
    %dma_start3A_27 = arith.constant 0 : i32
    %dma_start3A_28 = tpu.memref_slice %arg4[%add3A_23, %dma_start3A_27] : memref<2048x128xf32, #tpu.memory_space<hbm>> -> memref<128x128xf32, #tpu.memory_space<hbm>>
    %dma_start3A_29 = arith.constant 0 : i32
    %dma_start3A_30 = arith.constant 0 : i32
    %dma_start3A_31 = tpu.memref_slice %arg9[%dma_start3A_29, %dma_start3A_30] : memref<256x128xf32, #tpu.memory_space<vmem>> -> memref<128x128xf32, #tpu.memory_space<vmem>>
    %dma_start3A_32 = arith.constant 0 : i32
    %dma_start3A_33 = tpu.memref_slice %arg4[%add3A_23, %dma_start3A_32] : memref<2048x128xf32, #tpu.memory_space<hbm>> -> memref<128x128xf32, #tpu.memory_space<hbm>>
    tpu.enqueue_dma source(%dma_start3A_33 : memref<128x128xf32, #tpu.memory_space<hbm>>) target(%dma_start3A_31 : memref<128x128xf32, #tpu.memory_space<vmem>>) target_semaphore(%arg12 : memref<!tpu.dma_semaphore, #tpu.memory_space<semaphore_mem>>)
    %add3A_34 = arith.constant 128 : i32
    %add3A_35 = arith.addi %mul3A_6, %add3A_34 : i32
    %dma_start3A_36 = arith.constant 128 : i32
    %dma_start3A_37 = arith.constant 0 : i32
    %dma_start3A_38 = tpu.memref_slice %arg9[%dma_start3A_36, %dma_start3A_37] : memref<256x128xf32, #tpu.memory_space<vmem>> -> memref<128x128xf32, #tpu.memory_space<vmem>>
    %dma_start3A_39 = arith.constant 0 : i32
    %dma_start3A_40 = tpu.memref_slice %arg4[%add3A_35, %dma_start3A_39] : memref<2048x128xf32, #tpu.memory_space<hbm>> -> memref<128x128xf32, #tpu.memory_space<hbm>>
    %dma_start3A_41 = arith.constant 128 : i32
    %dma_start3A_42 = arith.constant 0 : i32
    %dma_start3A_43 = tpu.memref_slice %arg9[%dma_start3A_41, %dma_start3A_42] : memref<256x128xf32, #tpu.memory_space<vmem>> -> memref<128x128xf32, #tpu.memory_space<vmem>>
    %dma_start3A_44 = arith.constant 0 : i32
    %dma_start3A_45 = tpu.memref_slice %arg4[%add3A_35, %dma_start3A_44] : memref<2048x128xf32, #tpu.memory_space<hbm>> -> memref<128x128xf32, #tpu.memory_space<hbm>>
    tpu.enqueue_dma source(%dma_start3A_45 : memref<128x128xf32, #tpu.memory_space<hbm>>) target(%dma_start3A_43 : memref<128x128xf32, #tpu.memory_space<vmem>>) target_semaphore(%arg13 : memref<!tpu.dma_semaphore, #tpu.memory_space<semaphore_mem>>)
    %dma_wait3A = arith.constant 0 : i32
    %dma_wait3A_46 = arith.constant 0 : i32
    %dma_wait3A_47 = tpu.memref_slice %arg8[%dma_wait3A, %dma_wait3A_46] : memref<256x128xf32, #tpu.memory_space<vmem>> -> memref<128x128xf32, #tpu.memory_space<vmem>>
    %dma_wait3A_48 = arith.constant 0 : i32
    %dma_wait3A_49 = tpu.memref_slice %arg7[%dma_wait3A_48] : memref<256xi32, #tpu.memory_space<vmem>> -> memref<128xi32, #tpu.memory_space<vmem>>
    %dma_wait3A_50 = arith.constant 0 : i32
    %dma_wait3A_51 = arith.constant 0 : i32
    %dma_wait3A_52 = tpu.memref_slice %arg3[%dma_wait3A_50, %dma_wait3A_51] : memref<1000000x128xf32, #tpu.memory_space<hbm>> -> memref<1000000x128xf32, #tpu.memory_space<hbm>>
    tpu.wait_indirect_dma semaphore(%arg10 : memref<!tpu.dma_semaphore, #tpu.memory_space<semaphore_mem>>) src(%dma_wait3A_52 : memref<1000000x128xf32, #tpu.memory_space<hbm>>) dst(%dma_wait3A_47 : memref<128x128xf32, #tpu.memory_space<vmem>>)
    %dma_wait3A_53 = arith.constant 0 : i32
    %dma_wait3A_54 = arith.constant 0 : i32
    %dma_wait3A_55 = tpu.memref_slice %arg9[%dma_wait3A_53, %dma_wait3A_54] : memref<256x128xf32, #tpu.memory_space<vmem>> -> memref<128x128xf32, #tpu.memory_space<vmem>>
    %dma_wait3A_56 = arith.constant 0 : i32
    %dma_wait3A_57 = tpu.memref_slice %arg4[%add3A_23, %dma_wait3A_56] : memref<2048x128xf32, #tpu.memory_space<hbm>> -> memref<128x128xf32, #tpu.memory_space<hbm>>
    %dma_wait3A_58 = arith.constant 0 : i32
    %dma_wait3A_59 = arith.constant 0 : i32
    %dma_wait3A_60 = tpu.memref_slice %arg9[%dma_wait3A_58, %dma_wait3A_59] : memref<256x128xf32, #tpu.memory_space<vmem>> -> memref<128x128xf32, #tpu.memory_space<vmem>>
    %dma_wait3A_61 = arith.constant 0 : i32
    %dma_wait3A_62 = tpu.memref_slice %arg4[%add3A_23, %dma_wait3A_61] : memref<2048x128xf32, #tpu.memory_space<hbm>> -> memref<128x128xf32, #tpu.memory_space<hbm>>
    tpu.wait_dma2 semaphore(%arg12 : memref<!tpu.dma_semaphore, #tpu.memory_space<semaphore_mem>>) src(%dma_wait3A_62 : memref<128x128xf32, #tpu.memory_space<hbm>>) dst(%dma_wait3A_60 : memref<128x128xf32, #tpu.memory_space<vmem>>)
    %parallel_loop3A = arith.constant 0 : i32
    %parallel_loop3A_63 = arith.constant 128 : i32
    %parallel_loop3A_64 = arith.constant 1 : i32
    scf.for %parallel_loop3A_162 = %parallel_loop3A to %parallel_loop3A_63 step %parallel_loop3A_64  : i32 {
      %parallel_loop3A_163 = arith.index_cast %parallel_loop3A_162 : i32 to index
      %parallel_loop3A_164 = arith.constant 0 : index
      %parallel_loop3A_165 = tpu.vector_load %arg8[%parallel_loop3A_163, %parallel_loop3A_164] {strides = array<i32>} : memref<256x128xf32, #tpu.memory_space<vmem>>, vector<1x16xf32>,
      %parallel_loop3A_166 = vector.shape_cast %parallel_loop3A_165 : vector<1x16xf32> to vector<16xf32>
      %parallel_loop3A_167 = vector.broadcast %squeeze3A : f32 to vector<16xf32>
      %parallel_loop3A_168 = arith.mulf %parallel_loop3A_166, %parallel_loop3A_167 : vector<16xf32>
      %parallel_loop3A_169 = arith.index_cast %parallel_loop3A_162 : i32 to index
      %parallel_loop3A_170 = arith.constant 0 : index
      %parallel_loop3A_171 = tpu.vector_load %arg9[%parallel_loop3A_169, %parallel_loop3A_170] {strides = array<i32>} : memref<256x128xf32, #tpu.memory_space<vmem>>, vector<1x16xf32>,
      %parallel_loop3A_172 = vector.shape_cast %parallel_loop3A_171 : vector<1x16xf32> to vector<16xf32>
      %parallel_loop3A_173 = vector.shape_cast %parallel_loop3A_168 : vector<16xf32> to vector<1x16xf32>
      tpu.vector_store %arg9[%parallel_loop3A_169, %parallel_loop3A_170], %parallel_loop3A_173 {add = true, strides = array<i32>} : memref<256x128xf32, #tpu.memory_space<vmem>>, vector<1x16xf32>,
      %parallel_loop3A_174 = arith.index_cast %parallel_loop3A_162 : i32 to index
      %parallel_loop3A_175 = arith.constant 16 : index
      %parallel_loop3A_176 = tpu.vector_load %arg8[%parallel_loop3A_174, %parallel_loop3A_175] {strides = array<i32>} : memref<256x128xf32, #tpu.memory_space<vmem>>, vector<1x16xf32>,
      %parallel_loop3A_177 = vector.shape_cast %parallel_loop3A_176 : vector<1x16xf32> to vector<16xf32>
      %parallel_loop3A_178 = vector.broadcast %squeeze3A : f32 to vector<16xf32>
      %parallel_loop3A_179 = arith.mulf %parallel_loop3A_177, %parallel_loop3A_178 : vector<16xf32>
      %parallel_loop3A_180 = arith.index_cast %parallel_loop3A_162 : i32 to index
      %parallel_loop3A_181 = arith.constant 16 : index
      %parallel_loop3A_182 = tpu.vector_load %arg9[%parallel_loop3A_180, %parallel_loop3A_181] {strides = array<i32>} : memref<256x128xf32, #tpu.memory_space<vmem>>, vector<1x16xf32>,
      %parallel_loop3A_183 = vector.shape_cast %parallel_loop3A_182 : vector<1x16xf32> to vector<16xf32>
      %parallel_loop3A_184 = vector.shape_cast %parallel_loop3A_179 : vector<16xf32> to vector<1x16xf32>
      tpu.vector_store %arg9[%parallel_loop3A_180, %parallel_loop3A_181], %parallel_loop3A_184 {add = true, strides = array<i32>} : memref<256x128xf32, #tpu.memory_space<vmem>>, vector<1x16xf32>,
      %parallel_loop3A_185 = arith.index_cast %parallel_loop3A_162 : i32 to index
      %parallel_loop3A_186 = arith.constant 32 : index
      %parallel_loop3A_187 = tpu.vector_load %arg8[%parallel_loop3A_185, %parallel_loop3A_186] {strides = array<i32>} : memref<256x128xf32, #tpu.memory_space<vmem>>, vector<1x16xf32>,
      %parallel_loop3A_188 = vector.shape_cast %parallel_loop3A_187 : vector<1x16xf32> to vector<16xf32>
      %parallel_loop3A_189 = vector.broadcast %squeeze3A : f32 to vector<16xf32>
      %parallel_loop3A_190 = arith.mulf %parallel_loop3A_188, %parallel_loop3A_189 : vector<16xf32>
      %parallel_loop3A_191 = arith.index_cast %parallel_loop3A_162 : i32 to index
      %parallel_loop3A_192 = arith.constant 32 : index
      %parallel_loop3A_193 = tpu.vector_load %arg9[%parallel_loop3A_191, %parallel_loop3A_192] {strides = array<i32>} : memref<256x128xf32, #tpu.memory_space<vmem>>, vector<1x16xf32>,
      %parallel_loop3A_194 = vector.shape_cast %parallel_loop3A_193 : vector<1x16xf32> to vector<16xf32>
      %parallel_loop3A_195 = vector.shape_cast %parallel_loop3A_190 : vector<16xf32> to vector<1x16xf32>
      tpu.vector_store %arg9[%parallel_loop3A_191, %parallel_loop3A_192], %parallel_loop3A_195 {add = true, strides = array<i32>} : memref<256x128xf32, #tpu.memory_space<vmem>>, vector<1x16xf32>,
      %parallel_loop3A_196 = arith.index_cast %parallel_loop3A_162 : i32 to index
      %parallel_loop3A_197 = arith.constant 48 : index
      %parallel_loop3A_198 = tpu.vector_load %arg8[%parallel_loop3A_196, %parallel_loop3A_197] {strides = array<i32>} : memref<256x128xf32, #tpu.memory_space<vmem>>, vector<1x16xf32>,
      %parallel_loop3A_199 = vector.shape_cast %parallel_loop3A_198 : vector<1x16xf32> to vector<16xf32>
      %parallel_loop3A_200 = vector.broadcast %squeeze3A : f32 to vector<16xf32>
      %parallel_loop3A_201 = arith.mulf %parallel_loop3A_199, %parallel_loop3A_200 : vector<16xf32>
      %parallel_loop3A_202 = arith.index_cast %parallel_loop3A_162 : i32 to index
      %parallel_loop3A_203 = arith.constant 48 : index
      %parallel_loop3A_204 = tpu.vector_load %arg9[%parallel_loop3A_202, %parallel_loop3A_203] {strides = array<i32>} : memref<256x128xf32, #tpu.memory_space<vmem>>, vector<1x16xf32>,
      %parallel_loop3A_205 = vector.shape_cast %parallel_loop3A_204 : vector<1x16xf32> to vector<16xf32>
      %parallel_loop3A_206 = vector.shape_cast %parallel_loop3A_201 : vector<16xf32> to vector<1x16xf32>
      tpu.vector_store %arg9[%parallel_loop3A_202, %parallel_loop3A_203], %parallel_loop3A_206 {add = true, strides = array<i32>} : memref<256x128xf32, #tpu.memory_space<vmem>>, vector<1x16xf32>,
      %parallel_loop3A_207 = arith.index_cast %parallel_loop3A_162 : i32 to index
      %parallel_loop3A_208 = arith.constant 64 : index
      %parallel_loop3A_209 = tpu.vector_load %arg8[%parallel_loop3A_207, %parallel_loop3A_208] {strides = array<i32>} : memref<256x128xf32, #tpu.memory_space<vmem>>, vector<1x16xf32>,
      %parallel_loop3A_210 = vector.shape_cast %parallel_loop3A_209 : vector<1x16xf32> to vector<16xf32>
      %parallel_loop3A_211 = vector.broadcast %squeeze3A : f32 to vector<16xf32>
      %parallel_loop3A_212 = arith.mulf %parallel_loop3A_210, %parallel_loop3A_211 : vector<16xf32>
      %parallel_loop3A_213 = arith.index_cast %parallel_loop3A_162 : i32 to index
      %parallel_loop3A_214 = arith.constant 64 : index
      %parallel_loop3A_215 = tpu.vector_load %arg9[%parallel_loop3A_213, %parallel_loop3A_214] {strides = array<i32>} : memref<256x128xf32, #tpu.memory_space<vmem>>, vector<1x16xf32>,
      %parallel_loop3A_216 = vector.shape_cast %parallel_loop3A_215 : vector<1x16xf32> to vector<16xf32>
      %parallel_loop3A_217 = vector.shape_cast %parallel_loop3A_212 : vector<16xf32> to vector<1x16xf32>
      tpu.vector_store %arg9[%parallel_loop3A_213, %parallel_loop3A_214], %parallel_loop3A_217 {add = true, strides = array<i32>} : memref<256x128xf32, #tpu.memory_space<vmem>>, vector<1x16xf32>,
      %parallel_loop3A_218 = arith.index_cast %parallel_loop3A_162 : i32 to index
      %parallel_loop3A_219 = arith.constant 80 : index
      %parallel_loop3A_220 = tpu.vector_load %arg8[%parallel_loop3A_218, %parallel_loop3A_219] {strides = array<i32>} : memref<256x128xf32, #tpu.memory_space<vmem>>, vector<1x16xf32>,
      %parallel_loop3A_221 = vector.shape_cast %parallel_loop3A_220 : vector<1x16xf32> to vector<16xf32>
      %parallel_loop3A_222 = vector.broadcast %squeeze3A : f32 to vector<16xf32>
      %parallel_loop3A_223 = arith.mulf %parallel_loop3A_221, %parallel_loop3A_222 : vector<16xf32>
      %parallel_loop3A_224 = arith.index_cast %parallel_loop3A_162 : i32 to index
      %parallel_loop3A_225 = arith.constant 80 : index
      %parallel_loop3A_226 = tpu.vector_load %arg9[%parallel_loop3A_224, %parallel_loop3A_225] {strides = array<i32>} : memref<256x128xf32, #tpu.memory_space<vmem>>, vector<1x16xf32>,
      %parallel_loop3A_227 = vector.shape_cast %parallel_loop3A_226 : vector<1x16xf32> to vector<16xf32>
      %parallel_loop3A_228 = vector.shape_cast %parallel_loop3A_223 : vector<16xf32> to vector<1x16xf32>
      tpu.vector_store %arg9[%parallel_loop3A_224, %parallel_loop3A_225], %parallel_loop3A_228 {add = true, strides = array<i32>} : memref<256x128xf32, #tpu.memory_space<vmem>>, vector<1x16xf32>,
      %parallel_loop3A_229 = arith.index_cast %parallel_loop3A_162 : i32 to index
      %parallel_loop3A_230 = arith.constant 96 : index
      %parallel_loop3A_231 = tpu.vector_load %arg8[%parallel_loop3A_229, %parallel_loop3A_230] {strides = array<i32>} : memref<256x128xf32, #tpu.memory_space<vmem>>, vector<1x16xf32>,
      %parallel_loop3A_232 = vector.shape_cast %parallel_loop3A_231 : vector<1x16xf32> to vector<16xf32>
      %parallel_loop3A_233 = vector.broadcast %squeeze3A : f32 to vector<16xf32>
      %parallel_loop3A_234 = arith.mulf %parallel_loop3A_232, %parallel_loop3A_233 : vector<16xf32>
      %parallel_loop3A_235 = arith.index_cast %parallel_loop3A_162 : i32 to index
      %parallel_loop3A_236 = arith.constant 96 : index
      %parallel_loop3A_237 = tpu.vector_load %arg9[%parallel_loop3A_235, %parallel_loop3A_236] {strides = array<i32>} : memref<256x128xf32, #tpu.memory_space<vmem>>, vector<1x16xf32>,
      %parallel_loop3A_238 = vector.shape_cast %parallel_loop3A_237 : vector<1x16xf32> to vector<16xf32>
      %parallel_loop3A_239 = vector.shape_cast %parallel_loop3A_234 : vector<16xf32> to vector<1x16xf32>
      tpu.vector_store %arg9[%parallel_loop3A_235, %parallel_loop3A_236], %parallel_loop3A_239 {add = true, strides = array<i32>} : memref<256x128xf32, #tpu.memory_space<vmem>>, vector<1x16xf32>,
      %parallel_loop3A_240 = arith.index_cast %parallel_loop3A_162 : i32 to index
      %parallel_loop3A_241 = arith.constant 112 : index
      %parallel_loop3A_242 = tpu.vector_load %arg8[%parallel_loop3A_240, %parallel_loop3A_241] {strides = array<i32>} : memref<256x128xf32, #tpu.memory_space<vmem>>, vector<1x16xf32>,
      %parallel_loop3A_243 = vector.shape_cast %parallel_loop3A_242 : vector<1x16xf32> to vector<16xf32>
      %parallel_loop3A_244 = vector.broadcast %squeeze3A : f32 to vector<16xf32>
      %parallel_loop3A_245 = arith.mulf %parallel_loop3A_243, %parallel_loop3A_244 : vector<16xf32>
      %parallel_loop3A_246 = arith.index_cast %parallel_loop3A_162 : i32 to index
      %parallel_loop3A_247 = arith.constant 112 : index
      %parallel_loop3A_248 = tpu.vector_load %arg9[%parallel_loop3A_246, %parallel_loop3A_247] {strides = array<i32>} : memref<256x128xf32, #tpu.memory_space<vmem>>, vector<1x16xf32>,
      %parallel_loop3A_249 = vector.shape_cast %parallel_loop3A_248 : vector<1x16xf32> to vector<16xf32>
      %parallel_loop3A_250 = vector.shape_cast %parallel_loop3A_245 : vector<16xf32> to vector<1x16xf32>
      tpu.vector_store %arg9[%parallel_loop3A_246, %parallel_loop3A_247], %parallel_loop3A_250 {add = true, strides = array<i32>} : memref<256x128xf32, #tpu.memory_space<vmem>>, vector<1x16xf32>,
    } {sc.loop_unroll_factor = 1 : i64, sc.parallel_access}
    %add3A_65 = arith.constant 0 : i32
    %add3A_66 = arith.addi %mul3A_6, %add3A_65 : i32
    %dma_start3A_67 = arith.constant 0 : i32
    %dma_start3A_68 = arith.constant 0 : i32
    %dma_start3A_69 = tpu.memref_slice %arg9[%dma_start3A_67, %dma_start3A_68] : memref<256x128xf32, #tpu.memory_space<vmem>> -> memref<128x128xf32, #tpu.memory_space<vmem>>
    %dma_start3A_70 = arith.constant 0 : i32
    %dma_start3A_71 = arith.constant 0 : i32
    %dma_start3A_72 = tpu.memref_slice %arg6[%div3A_3, %dma_start3A_70, %dma_start3A_71] : memref<4x2048x128xf32, #tpu.memory_space<hbm>> -> memref<1x2048x128xf32, #tpu.memory_space<hbm>>
    %dma_start3A_73 = tpu.memref_squeeze %dma_start3A_72 : memref<1x2048x128xf32, #tpu.memory_space<hbm>> -> memref<2048x128xf32, #tpu.memory_space<hbm>>
    %dma_start3A_74 = arith.constant 0 : i32
    %dma_start3A_75 = tpu.memref_slice %dma_start3A_73[%add3A_66, %dma_start3A_74] : memref<2048x128xf32, #tpu.memory_space<hbm>> -> memref<128x128xf32, #tpu.memory_space<hbm>>
    %dma_start3A_76 = arith.constant 0 : i32
    %dma_start3A_77 = arith.constant 0 : i32
    %dma_start3A_78 = tpu.memref_slice %arg6[%div3A_3, %dma_start3A_76, %dma_start3A_77] : memref<4x2048x128xf32, #tpu.memory_space<hbm>> -> memref<1x2048x128xf32, #tpu.memory_space<hbm>>
    %dma_start3A_79 = tpu.memref_squeeze %dma_start3A_78 : memref<1x2048x128xf32, #tpu.memory_space<hbm>> -> memref<2048x128xf32, #tpu.memory_space<hbm>>
    %dma_start3A_80 = arith.constant 0 : i32
    %dma_start3A_81 = tpu.memref_slice %dma_start3A_79[%add3A_66, %dma_start3A_80] : memref<2048x128xf32, #tpu.memory_space<hbm>> -> memref<128x128xf32, #tpu.memory_space<hbm>>
    %dma_start3A_82 = arith.constant 0 : i32
    %dma_start3A_83 = arith.constant 0 : i32
    %dma_start3A_84 = tpu.memref_slice %arg9[%dma_start3A_82, %dma_start3A_83] : memref<256x128xf32, #tpu.memory_space<vmem>> -> memref<128x128xf32, #tpu.memory_space<vmem>>
    tpu.enqueue_dma source(%dma_start3A_84 : memref<128x128xf32, #tpu.memory_space<vmem>>) target(%dma_start3A_81 : memref<128x128xf32, #tpu.memory_space<hbm>>) target_semaphore(%arg14 : memref<!tpu.dma_semaphore, #tpu.memory_space<semaphore_mem>>)
    %dma_wait3A_85 = arith.constant 128 : i32
    %dma_wait3A_86 = arith.constant 0 : i32
    %dma_wait3A_87 = tpu.memref_slice %arg8[%dma_wait3A_85, %dma_wait3A_86] : memref<256x128xf32, #tpu.memory_space<vmem>> -> memref<128x128xf32, #tpu.memory_space<vmem>>
    %dma_wait3A_88 = arith.constant 128 : i32
    %dma_wait3A_89 = tpu.memref_slice %arg7[%dma_wait3A_88] : memref<256xi32, #tpu.memory_space<vmem>> -> memref<128xi32, #tpu.memory_space<vmem>>
    %dma_wait3A_90 = arith.constant 0 : i32
    %dma_wait3A_91 = arith.constant 0 : i32
    %dma_wait3A_92 = tpu.memref_slice %arg3[%dma_wait3A_90, %dma_wait3A_91] : memref<1000000x128xf32, #tpu.memory_space<hbm>> -> memref<1000000x128xf32, #tpu.memory_space<hbm>>
    tpu.wait_indirect_dma semaphore(%arg11 : memref<!tpu.dma_semaphore, #tpu.memory_space<semaphore_mem>>) src(%dma_wait3A_92 : memref<1000000x128xf32, #tpu.memory_space<hbm>>) dst(%dma_wait3A_87 : memref<128x128xf32, #tpu.memory_space<vmem>>)
    %dma_wait3A_93 = arith.constant 128 : i32
    %dma_wait3A_94 = arith.constant 0 : i32
    %dma_wait3A_95 = tpu.memref_slice %arg9[%dma_wait3A_93, %dma_wait3A_94] : memref<256x128xf32, #tpu.memory_space<vmem>> -> memref<128x128xf32, #tpu.memory_space<vmem>>
    %dma_wait3A_96 = arith.constant 0 : i32
    %dma_wait3A_97 = tpu.memref_slice %arg4[%add3A_35, %dma_wait3A_96] : memref<2048x128xf32, #tpu.memory_space<hbm>> -> memref<128x128xf32, #tpu.memory_space<hbm>>
    %dma_wait3A_98 = arith.constant 128 : i32
    %dma_wait3A_99 = arith.constant 0 : i32
    %dma_wait3A_100 = tpu.memref_slice %arg9[%dma_wait3A_98, %dma_wait3A_99] : memref<256x128xf32, #tpu.memory_space<vmem>> -> memref<128x128xf32, #tpu.memory_space<vmem>>
    %dma_wait3A_101 = arith.constant 0 : i32
    %dma_wait3A_102 = tpu.memref_slice %arg4[%add3A_35, %dma_wait3A_101] : memref<2048x128xf32, #tpu.memory_space<hbm>> -> memref<128x128xf32, #tpu.memory_space<hbm>>
    tpu.wait_dma2 semaphore(%arg13 : memref<!tpu.dma_semaphore, #tpu.memory_space<semaphore_mem>>) src(%dma_wait3A_102 : memref<128x128xf32, #tpu.memory_space<hbm>>) dst(%dma_wait3A_100 : memref<128x128xf32, #tpu.memory_space<vmem>>)
    %parallel_loop3A_103 = arith.constant 128 : i32
    %parallel_loop3A_104 = arith.constant 256 : i32
    %parallel_loop3A_105 = arith.constant 1 : i32
    scf.for %parallel_loop3A_162 = %parallel_loop3A_103 to %parallel_loop3A_104 step %parallel_loop3A_105  : i32 {
      %parallel_loop3A_163 = arith.index_cast %parallel_loop3A_162 : i32 to index
      %parallel_loop3A_164 = arith.constant 0 : index
      %parallel_loop3A_165 = tpu.vector_load %arg8[%parallel_loop3A_163, %parallel_loop3A_164] {strides = array<i32>} : memref<256x128xf32, #tpu.memory_space<vmem>>, vector<1x16xf32>,
      %parallel_loop3A_166 = vector.shape_cast %parallel_loop3A_165 : vector<1x16xf32> to vector<16xf32>
      %parallel_loop3A_167 = vector.broadcast %squeeze3A : f32 to vector<16xf32>
      %parallel_loop3A_168 = arith.mulf %parallel_loop3A_166, %parallel_loop3A_167 : vector<16xf32>
      %parallel_loop3A_169 = arith.index_cast %parallel_loop3A_162 : i32 to index
      %parallel_loop3A_170 = arith.constant 0 : index
      %parallel_loop3A_171 = tpu.vector_load %arg9[%parallel_loop3A_169, %parallel_loop3A_170] {strides = array<i32>} : memref<256x128xf32, #tpu.memory_space<vmem>>, vector<1x16xf32>,
      %parallel_loop3A_172 = vector.shape_cast %parallel_loop3A_171 : vector<1x16xf32> to vector<16xf32>
      %parallel_loop3A_173 = vector.shape_cast %parallel_loop3A_168 : vector<16xf32> to vector<1x16xf32>
      tpu.vector_store %arg9[%parallel_loop3A_169, %parallel_loop3A_170], %parallel_loop3A_173 {add = true, strides = array<i32>} : memref<256x128xf32, #tpu.memory_space<vmem>>, vector<1x16xf32>,
      %parallel_loop3A_174 = arith.index_cast %parallel_loop3A_162 : i32 to index
      %parallel_loop3A_175 = arith.constant 16 : index
      %parallel_loop3A_176 = tpu.vector_load %arg8[%parallel_loop3A_174, %parallel_loop3A_175] {strides = array<i32>} : memref<256x128xf32, #tpu.memory_space<vmem>>, vector<1x16xf32>,
      %parallel_loop3A_177 = vector.shape_cast %parallel_loop3A_176 : vector<1x16xf32> to vector<16xf32>
      %parallel_loop3A_178 = vector.broadcast %squeeze3A : f32 to vector<16xf32>
      %parallel_loop3A_179 = arith.mulf %parallel_loop3A_177, %parallel_loop3A_178 : vector<16xf32>
      %parallel_loop3A_180 = arith.index_cast %parallel_loop3A_162 : i32 to index
      %parallel_loop3A_181 = arith.constant 16 : index
      %parallel_loop3A_182 = tpu.vector_load %arg9[%parallel_loop3A_180, %parallel_loop3A_181] {strides = array<i32>} : memref<256x128xf32, #tpu.memory_space<vmem>>, vector<1x16xf32>,
      %parallel_loop3A_183 = vector.shape_cast %parallel_loop3A_182 : vector<1x16xf32> to vector<16xf32>
      %parallel_loop3A_184 = vector.shape_cast %parallel_loop3A_179 : vector<16xf32> to vector<1x16xf32>
      tpu.vector_store %arg9[%parallel_loop3A_180, %parallel_loop3A_181], %parallel_loop3A_184 {add = true, strides = array<i32>} : memref<256x128xf32, #tpu.memory_space<vmem>>, vector<1x16xf32>,
      %parallel_loop3A_185 = arith.index_cast %parallel_loop3A_162 : i32 to index
      %parallel_loop3A_186 = arith.constant 32 : index
      %parallel_loop3A_187 = tpu.vector_load %arg8[%parallel_loop3A_185, %parallel_loop3A_186] {strides = array<i32>} : memref<256x128xf32, #tpu.memory_space<vmem>>, vector<1x16xf32>,
      %parallel_loop3A_188 = vector.shape_cast %parallel_loop3A_187 : vector<1x16xf32> to vector<16xf32>
      %parallel_loop3A_189 = vector.broadcast %squeeze3A : f32 to vector<16xf32>
      %parallel_loop3A_190 = arith.mulf %parallel_loop3A_188, %parallel_loop3A_189 : vector<16xf32>
      %parallel_loop3A_191 = arith.index_cast %parallel_loop3A_162 : i32 to index
      %parallel_loop3A_192 = arith.constant 32 : index
      %parallel_loop3A_193 = tpu.vector_load %arg9[%parallel_loop3A_191, %parallel_loop3A_192] {strides = array<i32>} : memref<256x128xf32, #tpu.memory_space<vmem>>, vector<1x16xf32>,
      %parallel_loop3A_194 = vector.shape_cast %parallel_loop3A_193 : vector<1x16xf32> to vector<16xf32>
      %parallel_loop3A_195 = vector.shape_cast %parallel_loop3A_190 : vector<16xf32> to vector<1x16xf32>
      tpu.vector_store %arg9[%parallel_loop3A_191, %parallel_loop3A_192], %parallel_loop3A_195 {add = true, strides = array<i32>} : memref<256x128xf32, #tpu.memory_space<vmem>>, vector<1x16xf32>,
      %parallel_loop3A_196 = arith.index_cast %parallel_loop3A_162 : i32 to index
      %parallel_loop3A_197 = arith.constant 48 : index
      %parallel_loop3A_198 = tpu.vector_load %arg8[%parallel_loop3A_196, %parallel_loop3A_197] {strides = array<i32>} : memref<256x128xf32, #tpu.memory_space<vmem>>, vector<1x16xf32>,
      %parallel_loop3A_199 = vector.shape_cast %parallel_loop3A_198 : vector<1x16xf32> to vector<16xf32>
      %parallel_loop3A_200 = vector.broadcast %squeeze3A : f32 to vector<16xf32>
      %parallel_loop3A_201 = arith.mulf %parallel_loop3A_199, %parallel_loop3A_200 : vector<16xf32>
      %parallel_loop3A_202 = arith.index_cast %parallel_loop3A_162 : i32 to index
      %parallel_loop3A_203 = arith.constant 48 : index
      %parallel_loop3A_204 = tpu.vector_load %arg9[%parallel_loop3A_202, %parallel_loop3A_203] {strides = array<i32>} : memref<256x128xf32, #tpu.memory_space<vmem>>, vector<1x16xf32>,
      %parallel_loop3A_205 = vector.shape_cast %parallel_loop3A_204 : vector<1x16xf32> to vector<16xf32>
      %parallel_loop3A_206 = vector.shape_cast %parallel_loop3A_201 : vector<16xf32> to vector<1x16xf32>
      tpu.vector_store %arg9[%parallel_loop3A_202, %parallel_loop3A_203], %parallel_loop3A_206 {add = true, strides = array<i32>} : memref<256x128xf32, #tpu.memory_space<vmem>>, vector<1x16xf32>,
      %parallel_loop3A_207 = arith.index_cast %parallel_loop3A_162 : i32 to index
      %parallel_loop3A_208 = arith.constant 64 : index
      %parallel_loop3A_209 = tpu.vector_load %arg8[%parallel_loop3A_207, %parallel_loop3A_208] {strides = array<i32>} : memref<256x128xf32, #tpu.memory_space<vmem>>, vector<1x16xf32>,
      %parallel_loop3A_210 = vector.shape_cast %parallel_loop3A_209 : vector<1x16xf32> to vector<16xf32>
      %parallel_loop3A_211 = vector.broadcast %squeeze3A : f32 to vector<16xf32>
      %parallel_loop3A_212 = arith.mulf %parallel_loop3A_210, %parallel_loop3A_211 : vector<16xf32>
      %parallel_loop3A_213 = arith.index_cast %parallel_loop3A_162 : i32 to index
      %parallel_loop3A_214 = arith.constant 64 : index
      %parallel_loop3A_215 = tpu.vector_load %arg9[%parallel_loop3A_213, %parallel_loop3A_214] {strides = array<i32>} : memref<256x128xf32, #tpu.memory_space<vmem>>, vector<1x16xf32>,
      %parallel_loop3A_216 = vector.shape_cast %parallel_loop3A_215 : vector<1x16xf32> to vector<16xf32>
      %parallel_loop3A_217 = vector.shape_cast %parallel_loop3A_212 : vector<16xf32> to vector<1x16xf32>
      tpu.vector_store %arg9[%parallel_loop3A_213, %parallel_loop3A_214], %parallel_loop3A_217 {add = true, strides = array<i32>} : memref<256x128xf32, #tpu.memory_space<vmem>>, vector<1x16xf32>,
      %parallel_loop3A_218 = arith.index_cast %parallel_loop3A_162 : i32 to index
      %parallel_loop3A_219 = arith.constant 80 : index
      %parallel_loop3A_220 = tpu.vector_load %arg8[%parallel_loop3A_218, %parallel_loop3A_219] {strides = array<i32>} : memref<256x128xf32, #tpu.memory_space<vmem>>, vector<1x16xf32>,
      %parallel_loop3A_221 = vector.shape_cast %parallel_loop3A_220 : vector<1x16xf32> to vector<16xf32>
      %parallel_loop3A_222 = vector.broadcast %squeeze3A : f32 to vector<16xf32>
      %parallel_loop3A_223 = arith.mulf %parallel_loop3A_221, %parallel_loop3A_222 : vector<16xf32>
      %parallel_loop3A_224 = arith.index_cast %parallel_loop3A_162 : i32 to index
      %parallel_loop3A_225 = arith.constant 80 : index
      %parallel_loop3A_226 = tpu.vector_load %arg9[%parallel_loop3A_224, %parallel_loop3A_225] {strides = array<i32>} : memref<256x128xf32, #tpu.memory_space<vmem>>, vector<1x16xf32>,
      %parallel_loop3A_227 = vector.shape_cast %parallel_loop3A_226 : vector<1x16xf32> to vector<16xf32>
      %parallel_loop3A_228 = vector.shape_cast %parallel_loop3A_223 : vector<16xf32> to vector<1x16xf32>
      tpu.vector_store %arg9[%parallel_loop3A_224, %parallel_loop3A_225], %parallel_loop3A_228 {add = true, strides = array<i32>} : memref<256x128xf32, #tpu.memory_space<vmem>>, vector<1x16xf32>,
      %parallel_loop3A_229 = arith.index_cast %parallel_loop3A_162 : i32 to index
      %parallel_loop3A_230 = arith.constant 96 : index
      %parallel_loop3A_231 = tpu.vector_load %arg8[%parallel_loop3A_229, %parallel_loop3A_230] {strides = array<i32>} : memref<256x128xf32, #tpu.memory_space<vmem>>, vector<1x16xf32>,
      %parallel_loop3A_232 = vector.shape_cast %parallel_loop3A_231 : vector<1x16xf32> to vector<16xf32>
      %parallel_loop3A_233 = vector.broadcast %squeeze3A : f32 to vector<16xf32>
      %parallel_loop3A_234 = arith.mulf %parallel_loop3A_232, %parallel_loop3A_233 : vector<16xf32>
      %parallel_loop3A_235 = arith.index_cast %parallel_loop3A_162 : i32 to index
      %parallel_loop3A_236 = arith.constant 96 : index
      %parallel_loop3A_237 = tpu.vector_load %arg9[%parallel_loop3A_235, %parallel_loop3A_236] {strides = array<i32>} : memref<256x128xf32, #tpu.memory_space<vmem>>, vector<1x16xf32>,
      %parallel_loop3A_238 = vector.shape_cast %parallel_loop3A_237 : vector<1x16xf32> to vector<16xf32>
      %parallel_loop3A_239 = vector.shape_cast %parallel_loop3A_234 : vector<16xf32> to vector<1x16xf32>
      tpu.vector_store %arg9[%parallel_loop3A_235, %parallel_loop3A_236], %parallel_loop3A_239 {add = true, strides = array<i32>} : memref<256x128xf32, #tpu.memory_space<vmem>>, vector<1x16xf32>,
      %parallel_loop3A_240 = arith.index_cast %parallel_loop3A_162 : i32 to index
      %parallel_loop3A_241 = arith.constant 112 : index
      %parallel_loop3A_242 = tpu.vector_load %arg8[%parallel_loop3A_240, %parallel_loop3A_241] {strides = array<i32>} : memref<256x128xf32, #tpu.memory_space<vmem>>, vector<1x16xf32>,
      %parallel_loop3A_243 = vector.shape_cast %parallel_loop3A_242 : vector<1x16xf32> to vector<16xf32>
      %parallel_loop3A_244 = vector.broadcast %squeeze3A : f32 to vector<16xf32>
      %parallel_loop3A_245 = arith.mulf %parallel_loop3A_243, %parallel_loop3A_244 : vector<16xf32>
      %parallel_loop3A_246 = arith.index_cast %parallel_loop3A_162 : i32 to index
      %parallel_loop3A_247 = arith.constant 112 : index
      %parallel_loop3A_248 = tpu.vector_load %arg9[%parallel_loop3A_246, %parallel_loop3A_247] {strides = array<i32>} : memref<256x128xf32, #tpu.memory_space<vmem>>, vector<1x16xf32>,
      %parallel_loop3A_249 = vector.shape_cast %parallel_loop3A_248 : vector<1x16xf32> to vector<16xf32>
      %parallel_loop3A_250 = vector.shape_cast %parallel_loop3A_245 : vector<16xf32> to vector<1x16xf32>
      tpu.vector_store %arg9[%parallel_loop3A_246, %parallel_loop3A_247], %parallel_loop3A_250 {add = true, strides = array<i32>} : memref<256x128xf32, #tpu.memory_space<vmem>>, vector<1x16xf32>,
    } {sc.loop_unroll_factor = 1 : i64, sc.parallel_access}
    %add3A_106 = arith.constant 128 : i32
    %add3A_107 = arith.addi %mul3A_6, %add3A_106 : i32
    %dma_start3A_108 = arith.constant 128 : i32
    %dma_start3A_109 = arith.constant 0 : i32
    %dma_start3A_110 = tpu.memref_slice %arg9[%dma_start3A_108, %dma_start3A_109] : memref<256x128xf32, #tpu.memory_space<vmem>> -> memref<128x128xf32, #tpu.memory_space<vmem>>
    %dma_start3A_111 = arith.constant 0 : i32
    %dma_start3A_112 = arith.constant 0 : i32
    %dma_start3A_113 = tpu.memref_slice %arg6[%div3A_3, %dma_start3A_111, %dma_start3A_112] : memref<4x2048x128xf32, #tpu.memory_space<hbm>> -> memref<1x2048x128xf32, #tpu.memory_space<hbm>>
    %dma_start3A_114 = tpu.memref_squeeze %dma_start3A_113 : memref<1x2048x128xf32, #tpu.memory_space<hbm>> -> memref<2048x128xf32, #tpu.memory_space<hbm>>
    %dma_start3A_115 = arith.constant 0 : i32
    %dma_start3A_116 = tpu.memref_slice %dma_start3A_114[%add3A_107, %dma_start3A_115] : memref<2048x128xf32, #tpu.memory_space<hbm>> -> memref<128x128xf32, #tpu.memory_space<hbm>>
    %dma_start3A_117 = arith.constant 0 : i32
    %dma_start3A_118 = arith.constant 0 : i32
    %dma_start3A_119 = tpu.memref_slice %arg6[%div3A_3, %dma_start3A_117, %dma_start3A_118] : memref<4x2048x128xf32, #tpu.memory_space<hbm>> -> memref<1x2048x128xf32, #tpu.memory_space<hbm>>
    %dma_start3A_120 = tpu.memref_squeeze %dma_start3A_119 : memref<1x2048x128xf32, #tpu.memory_space<hbm>> -> memref<2048x128xf32, #tpu.memory_space<hbm>>
    %dma_start3A_121 = arith.constant 0 : i32
    %dma_start3A_122 = tpu.memref_slice %dma_start3A_120[%add3A_107, %dma_start3A_121] : memref<2048x128xf32, #tpu.memory_space<hbm>> -> memref<128x128xf32, #tpu.memory_space<hbm>>
    %dma_start3A_123 = arith.constant 128 : i32
    %dma_start3A_124 = arith.constant 0 : i32
    %dma_start3A_125 = tpu.memref_slice %arg9[%dma_start3A_123, %dma_start3A_124] : memref<256x128xf32, #tpu.memory_space<vmem>> -> memref<128x128xf32, #tpu.memory_space<vmem>>
    tpu.enqueue_dma source(%dma_start3A_125 : memref<128x128xf32, #tpu.memory_space<vmem>>) target(%dma_start3A_122 : memref<128x128xf32, #tpu.memory_space<hbm>>) target_semaphore(%arg14 : memref<!tpu.dma_semaphore, #tpu.memory_space<semaphore_mem>>)
    %dma_wait3A_126 = arith.constant 0 : i32
    %dma_wait3A_127 = arith.constant 0 : i32
    %dma_wait3A_128 = tpu.memref_slice %arg9[%dma_wait3A_126, %dma_wait3A_127] : memref<256x128xf32, #tpu.memory_space<vmem>> -> memref<128x128xf32, #tpu.memory_space<vmem>>
    %dma_wait3A_129 = arith.constant 0 : i32
    %dma_wait3A_130 = arith.constant 0 : i32
    %dma_wait3A_131 = tpu.memref_slice %arg6[%div3A_3, %dma_wait3A_129, %dma_wait3A_130] : memref<4x2048x128xf32, #tpu.memory_space<hbm>> -> memref<1x2048x128xf32, #tpu.memory_space<hbm>>
    %dma_wait3A_132 = tpu.memref_squeeze %dma_wait3A_131 : memref<1x2048x128xf32, #tpu.memory_space<hbm>> -> memref<2048x128xf32, #tpu.memory_space<hbm>>
    %dma_wait3A_133 = arith.constant 0 : i32
    %dma_wait3A_134 = tpu.memref_slice %dma_wait3A_132[%add3A_66, %dma_wait3A_133] : memref<2048x128xf32, #tpu.memory_space<hbm>> -> memref<128x128xf32, #tpu.memory_space<hbm>>
    %dma_wait3A_135 = arith.constant 0 : i32
    %dma_wait3A_136 = arith.constant 0 : i32
    %dma_wait3A_137 = tpu.memref_slice %arg6[%div3A_3, %dma_wait3A_135, %dma_wait3A_136] : memref<4x2048x128xf32, #tpu.memory_space<hbm>> -> memref<1x2048x128xf32, #tpu.memory_space<hbm>>
    %dma_wait3A_138 = tpu.memref_squeeze %dma_wait3A_137 : memref<1x2048x128xf32, #tpu.memory_space<hbm>> -> memref<2048x128xf32, #tpu.memory_space<hbm>>
    %dma_wait3A_139 = arith.constant 0 : i32
    %dma_wait3A_140 = tpu.memref_slice %dma_wait3A_138[%add3A_66, %dma_wait3A_139] : memref<2048x128xf32, #tpu.memory_space<hbm>> -> memref<128x128xf32, #tpu.memory_space<hbm>>
    %dma_wait3A_141 = arith.constant 0 : i32
    %dma_wait3A_142 = arith.constant 0 : i32
    %dma_wait3A_143 = tpu.memref_slice %arg9[%dma_wait3A_141, %dma_wait3A_142] : memref<256x128xf32, #tpu.memory_space<vmem>> -> memref<128x128xf32, #tpu.memory_space<vmem>>
    tpu.wait_dma2 semaphore(%arg14 : memref<!tpu.dma_semaphore, #tpu.memory_space<semaphore_mem>>) src(%dma_wait3A_143 : memref<128x128xf32, #tpu.memory_space<vmem>>) dst(%dma_wait3A_140 : memref<128x128xf32, #tpu.memory_space<hbm>>)
    %dma_wait3A_144 = arith.constant 128 : i32
    %dma_wait3A_145 = arith.constant 0 : i32
    %dma_wait3A_146 = tpu.memref_slice %arg9[%dma_wait3A_144, %dma_wait3A_145] : memref<256x128xf32, #tpu.memory_space<vmem>> -> memref<128x128xf32, #tpu.memory_space<vmem>>
    %dma_wait3A_147 = arith.constant 0 : i32
    %dma_wait3A_148 = arith.constant 0 : i32
    %dma_wait3A_149 = tpu.memref_slice %arg6[%div3A_3, %dma_wait3A_147, %dma_wait3A_148] : memref<4x2048x128xf32, #tpu.memory_space<hbm>> -> memref<1x2048x128xf32, #tpu.memory_space<hbm>>
    %dma_wait3A_150 = tpu.memref_squeeze %dma_wait3A_149 : memref<1x2048x128xf32, #tpu.memory_space<hbm>> -> memref<2048x128xf32, #tpu.memory_space<hbm>>
    %dma_wait3A_151 = arith.constant 0 : i32
    %dma_wait3A_152 = tpu.memref_slice %dma_wait3A_150[%add3A_107, %dma_wait3A_151] : memref<2048x128xf32, #tpu.memory_space<hbm>> -> memref<128x128xf32, #tpu.memory_space<hbm>>
    %dma_wait3A_153 = arith.constant 0 : i32
    %dma_wait3A_154 = arith.constant 0 : i32
    %dma_wait3A_155 = tpu.memref_slice %arg6[%div3A_3, %dma_wait3A_153, %dma_wait3A_154] : memref<4x2048x128xf32, #tpu.memory_space<hbm>> -> memref<1x2048x128xf32, #tpu.memory_space<hbm>>
    %dma_wait3A_156 = tpu.memref_squeeze %dma_wait3A_155 : memref<1x2048x128xf32, #tpu.memory_space<hbm>> -> memref<2048x128xf32, #tpu.memory_space<hbm>>
    %dma_wait3A_157 = arith.constant 0 : i32
    %dma_wait3A_158 = tpu.memref_slice %dma_wait3A_156[%add3A_107, %dma_wait3A_157] : memref<2048x128xf32, #tpu.memory_space<hbm>> -> memref<128x128xf32, #tpu.memory_space<hbm>>
    %dma_wait3A_159 = arith.constant 128 : i32
    %dma_wait3A_160 = arith.constant 0 : i32
    %dma_wait3A_161 = tpu.memref_slice %arg9[%dma_wait3A_159, %dma_wait3A_160] : memref<256x128xf32, #tpu.memory_space<vmem>> -> memref<128x128xf32, #tpu.memory_space<vmem>>
    tpu.wait_dma2 semaphore(%arg14 : memref<!tpu.dma_semaphore, #tpu.memory_space<semaphore_mem>>) src(%dma_wait3A_161 : memref<128x128xf32, #tpu.memory_space<vmem>>) dst(%dma_wait3A_158 : memref<128x128xf32, #tpu.memory_space<hbm>>)
    return
  }
}

</mosaic_0001>

<sc_bundles>
// kernel: kernel.3.cloned.1.call-start
scs
__scs_entry_jumppad:
0x0: {  	(pc) =	sbr.rel $0x88, $3  }
0x1: {  	(tag) =	ssettag $0x0;
	lr =	simm.s32 $0x1  }
0x2: {  	[smem:$0x3F9F] =	sst lr;
	_ =	strace $0xD0000000  }
0x3: {  	_ = 	snop  }
0x4: {  	_ = 	snop  }
0x5: {  	_ = 	snop  }
0x6: {  	_ = 	snop  }
0x7: {  	_ = 	snop  }
__scs_overlays_trampoline_lowered:
0x8: {  	[smem:$0x3FAE] =	sst s0  }
0x9: {  	[smem:$0x3FAF] =	sst s1  }
0xa: {  	[smem:$0x3FB0] =	sst s2  }
0xb: {  	[smem:$0x3FB1] =	sst s3  }
0xc: {  	[smem:$0x3FB2] =	sst s4  }
0xd: {  	[smem:$0x3FB3] =	sst s5  }
0xe: {  	[smem:$0x3FB4] =	sst s6  }
0xf: {  	[smem:$0x3FB5] =	sst s7  }
0x10: {  	[smem:$0x3FB6] =	sst s8  }
0x11: {  	[smem:$0x3FB7] =	sst s9;
	s0 =	simm.s32 @!p0 $0x0  }
0x12: {  	s1 =	sld [smem:$0x3F9D];
	s0 =	simm.s32 @p0 $0x1  }
0x13: {  	[smem:$0x3FB8] =	sst s0;
	s0 =	simm.s32 @!p1 $0x0  }
0x14: {  	s2 =	sld [smem:$0x3F9C];
	s0 =	simm.s32 @p1 $0x1  }
0x15: {  	[smem:$0x3FB9] =	sst s0;
	s0 =	simm.s32 @!p2 $0x0  }
0x16: {  	s3 =	sld [smem:$0x3FDB];
	s0 =	simm.s32 @p2 $0x1  }
0x17: {  	s4 =	simm.s32 $0x1BF5;
	[smem:$0x3FBB] =	sst s0  }
0x18: {  	s0 =	sld [smem:$0x3F9E];
	_ =	swait.ge [sflag:s4], $0x0  }
0x19: {  	s7 =	sld [smem:$0x3F9F]  }
0x1a: {  	s8 =	sadd.s32 $0xFFFFE003, lr  }
0x1b: {  	s9 =	sadd.s32 $0xFFFFFEF7, lr;
	s5 =	simm.s32 $0xFFFFFFFF;
	p2 =	slt.u32 s8, $0xFFFFF086  }
0x1c: {  	p1 =	slt.u32 s9, $0xF7A;
	s5 =	simm.s32 @!p2 $0x0  }
0x1d: {  	s5 =	simm.s32 @p1 $0x1;
	p0 =	seq.s32 s7, s2  }
0x1e: {  	s7 =	smul.u32 @!p0 $0xF7A, s2;
	p2 =	seq.s32 @!p0 s5, $0x0  }
0x1f: {  	s9 =	smul.u32 $0xF7A, s1;
	s8 =	simm.s32 @!p0 $0x1BF5;
	p2 =	por !p2, p0  }
0x20: {  	[sflag:s8] =	ssyncset.s32 @!p0 $0xFFFFF086;
	s6 =	sadd.s32 @!p0 s3, s7;
	s7 =	simm.s32 @!p0 $0x108  }
0x21: {  	s3 =	sadd.s32 s3, s9;
	s6 =	sadd.s32 @!p0 $0x88, s6;
	s7 =	simm.s32 @p2 $0x1082  }
0x22: {  	[simem:s7], [sflag:s8] =	dma.local @!p0 [hbm:s6], $0xF7A  }
0x23: {  	s9 =	sor.u32 $0xD0000000, s2;
	s6 =	simm.s32 $0x108;
	_ =	swait.ge @!p0 [sflag:s8], $0x0  }
0x24: {  	s3 =	sadd.s32 $0x88, s3;
	s6 =	simm.s32 @!p1 $0x1082;
	[sflag:s4] =	ssyncset.s32 $0xFFFFF086  }
0x25: {  	[simem:s6], [sflag:s4] =	dma.local [hbm:s3], $0xF7A  }
0x26: {  	[smem:$0x3F9F] =	sst s1;
	(tag) =	ssettag s2;
	_ =	strace s9  }
0x27: {  	s1 =	sld [smem:$0x3FAF]  }
0x28: {  	s2 =	sld [smem:$0x3FB0]  }
0x29: {  	s4 =	sld [smem:$0x3FB2]  }
0x2a: {  	p0 =	seq.s32 s5, $0x0;
	s5 =	sld [smem:$0x3FB3]  }
0x2b: {  	s6 =	sld [smem:$0x3FB4]  }
0x2c: {  	s7 =	sld [smem:$0x3FB5]  }
0x2d: {  	s3 =	simm.s32 $0x108;
	s8 =	sld [smem:$0x3FB6]  }
0x2e: {  	s3 =	simm.s32 @!p0 $0x1082;
	s9 =	sld [smem:$0x3FB7]  }
0x2f: {  	lr =	sadd.s32 s0, s3;
	s0 =	sld [smem:$0x3FAE]  }
0x30: {  	s3 =	sld [smem:$0x3FB1]  }
0x31: {  	[smem:$0x3FBA] =	sst s10  }
0x32: {  	s10 =	sld [smem:$0x3FB8];
	_ =	sdelay $0x3  }
0x33: {  	p0 =	seq.s32 s10, $0x1;
	s10 =	sld [smem:$0x3FBA];
	_ =	sdelay $0x3  }
0x34: {  	[smem:$0x3FBA] =	sst s10  }
0x35: {  	s10 =	sld [smem:$0x3FB9];
	_ =	sdelay $0x3  }
0x36: {  	p1 =	seq.s32 s10, $0x1;
	s10 =	sld [smem:$0x3FBA];
	_ =	sdelay $0x3  }
0x37: {  	[smem:$0x3FBA] =	sst s10  }
0x38: {  	s10 =	sld [smem:$0x3FBB]  }
0x39: {  	_ = 	snop;
	(pc) =	sbr.ind lr, $3  }
0x3a: {  	_ = 	snop  }
0x3b: {  	_ = 	snop  }
0x3c: {  	p2 =	seq.s32 s10, $0x1;
	s10 =	sld [smem:$0x3FBA]  }
0x3d: {  	_ =	shalt  }
0x3e: {  	_ =	shalt  }
0x3f: {  	_ =	shalt  }
0x40: {  	_ =	shalt  }
0x41: {  	_ =	shalt  }
0x42: {  	_ =	shalt  }
0x43: {  	_ =	shalt  }
0x44: {  	_ =	shalt  }
0x45: {  	_ =	shalt  }
0x46: {  	_ =	shalt  }
0x47: {  	_ =	shalt  }
0x48: {  	_ =	shalt  }
0x49: {  	_ =	shalt  }
0x4a: {  	_ =	shalt  }
0x4b: {  	_ =	shalt  }
0x4c: {  	_ =	shalt  }
0x4d: {  	_ =	shalt  }
0x4e: {  	_ =	shalt  }
0x4f: {  	_ =	shalt  }
0x50: {  	_ =	shalt  }
0x51: {  	_ =	shalt  }
0x52: {  	_ =	shalt  }
0x53: {  	_ =	shalt  }
0x54: {  	_ =	shalt  }
0x55: {  	_ =	shalt  }
0x56: {  	_ =	shalt  }
0x57: {  	_ =	shalt  }
0x58: {  	_ =	shalt  }
0x59: {  	_ =	shalt  }
0x5a: {  	_ =	shalt  }
0x5b: {  	_ =	shalt  }
0x5c: {  	_ =	shalt  }
0x5d: {  	_ =	shalt  }
0x5e: {  	_ =	shalt  }
0x5f: {  	_ =	shalt  }
0x60: {  	_ =	shalt  }
0x61: {  	_ =	shalt  }
0x62: {  	_ =	shalt  }
0x63: {  	_ =	shalt  }
0x64: {  	_ =	shalt  }
0x65: {  	_ =	shalt  }
0x66: {  	_ =	shalt  }
0x67: {  	_ =	shalt  }
0x68: {  	_ =	shalt  }
0x69: {  	_ =	shalt  }
0x6a: {  	_ =	shalt  }
0x6b: {  	_ =	shalt  }
0x6c: {  	_ =	shalt  }
0x6d: {  	_ =	shalt  }
0x6e: {  	_ =	shalt  }
0x6f: {  	_ =	shalt  }
0x70: {  	_ =	shalt  }
0x71: {  	_ =	shalt  }
0x72: {  	_ =	shalt  }
0x73: {  	_ =	shalt  }
0x74: {  	_ =	shalt  }
0x75: {  	_ =	shalt  }
0x76: {  	_ =	shalt  }
0x77: {  	_ =	shalt  }
0x78: {  	_ =	shalt  }
0x79: {  	_ =	shalt  }
0x7a: {  	_ =	shalt  }
0x7b: {  	_ =	shalt  }
0x7c: {  	_ =	shalt  }
0x7d: {  	_ =	shalt  }
0x7e: {  	_ =	shalt  }
0x7f: {  	_ =	shalt  }
0x80: {  	_ =	shalt  }
0x81: {  	_ =	shalt  }
0x82: {  	_ =	shalt  }
0x83: {  	_ =	shalt  }
0x84: {  	_ =	shalt  }
0x85: {  	_ =	shalt  }
0x86: {  	_ =	shalt  }
0x87: {  	_ =	shalt  }
.Lfunc_end0:
.L_simem_size_0:
called_computation_lowered:
.L_overlay_start_0:
0x88: {  	s2 =	sld [smem:$0x3FD9]  }
0x89: {  	s3 =	sld [smem:$0x3FFE];
	_ =	sdelay $0x1  }
0x8a: {  	s1 =	srdreg.scid  }
0x8b: {  	s0 =	sand.u32 $0x1, s1  }
0x8c: {  	s17 =	sshll.u32 s0, $0xA;
	s2 =	sadd.s32 s3, s2  }
0x8d: {  	s2 =	sadd.s32 s2, s17  }
0x8e: {  	[smem:$0x3FC6] =	sst s2  }
0x8f: {  	_ = 	snop  }
0x90: {  	s2 =	sld [smem:$0x3FC9]  }
0x91: {  	s18 =	sld [smem:$0x3FC8]  }
0x92: {  	s4 =	sld [smem:$0x3FD0];
	(tm) =	ssettm $0x1  }
0x93: {  	s5 =	sld [smem:$0x3FFB];
	_ =	sdelay $0x3  }
0x94: {  	_ =	strace s5  }
0x95: {  	s5 =	sld [smem:$0x3FFC];
	_ =	sdelay $0x3  }
0x96: {  	_ =	strace s5  }
0x97: {  	s5 =	sld [smem:$0x3FFD];
	_ =	sdelay $0x3  }
0x98: {  	_ =	strace s5  }
0x99: {  	_ =	strace $0x8FFFFFFF  }
0x9a: {  	s19 =	sld [smem:$0x3FDB];
	_ =	sdelay $0x1  }
0x9b: {  	s6 =	simm.s32 $_scs_section_size  }
0x9c: {  	s7 =	simm.s32 $_size__tile_overlayer_lowered;
	s8 =	simm.s32 $_tile_overlayer_lowered  }
0x9d: {  	s22 =	simm.s32 $0x1BFF;
	s21 =	sshll.u32 s8, $0x1;
	s5 =	sadd.s32 s6, s19  }
0x9e: {  	s9 =	simm.s32 $0x0;
	s20 =	sshll.u32 s7, $0x1;
	s7 =	sadd.s32 s21, s5  }
0x9f: {  	[timem:s9], [sflag:s22] =	dma.local [hbm:s7], s20  }
0xa0: {  	_ =	swait.ge [sflag:s22], s20  }
0xa1: {  	s6 =	ssub.s32 $0x0, s20;
	[sflag:s22] =	ssyncset.done $0x0  }
0xa2: {  	[sflag:s22] =	ssyncadd.s32 s6;
	_ =	sdelay $0x1  }
0xa3: {  	s23 =	simm.s32 $0x1B8B  }
0xa4: {  	_ =	swait.ge [sflag:s23], $0x1  }
0xa5: {  	[sflag:s23] =	ssyncset.done $0x0  }
0xa6: {  	s25 =	simm.s32 $0x1B8E;
	s24 =	sld [smem:$0x3FFE];
	[sflag:s23] =	ssyncadd.s32 $0xFFFFFFFF  }
0xa7: {  	s26 =	simm.s32 $execute0_lowered;
	[smem:$0x3FD2] =	sst s25  }
0xa8: {  	s7 =	sshll.u32 s26, $0x1;
	_ =	strace $0x80000046;
	[dreg:$0x1] =	wrdreg $0xFFFFFFFF  }
0xa9: {  	s28 =	simm.s32 $_size_execute0_lowered;
	s5 =	sadd.s32 s5, s7;
	[dreg:$0x0] =	wrdreg $0x0  }
0xaa: {  	s7 =	sshll.u32 s28, $0x1;
	[dreg:$0x2] =	wrdreg s5  }
0xab: {  	[dreg:$0x3] =	wrdreg s7  }
0xac: {  	[dreg:$0x4] =	wrdreg $0xC0  }
0xad: {  	_ =	task [dreg:s9], $0x5FFFF  }
0xae: {  	[dreg:$0x1] =	wrdreg $0xFFFFFFFF  }
0xaf: {  	[dreg:$0x0] =	wrdreg $0x60  }
0xb0: {  	[dreg:$0x2] =	wrdreg s2  }
0xb1: {  	[dreg:$0x3] =	wrdreg s18  }
0xb2: {  	[dreg:$0x4] =	wrdreg s24  }
0xb3: {  	[dreg:$0x5] =	wrdreg s4  }
0xb4: {  	[dreg:$0x6] =	wrdreg $0x9  }
0xb5: {  	_ =	task.clear_ibuf [dreg:s9], $0x7FFFF;
	_ =	strace $0x90000046  }
0xb6: {  	s29 =	simm.s32 $0x9;
	_ =	strace $0x80000048  }
0xb7: {  	_ =	swait.ge [sflag:s29], $0x1  }
0xb8: {  	[sflag:s29] =	ssyncadd.s32 $0xFFFFFFFF  }
0xb9: {  	_ =	strace $0x90000048  }
0xba: {  	_ =	sfence  }
0xbb: {  	s30 =	sld [smem:$0x0];
	_ =	sdelay $0x2  }
0xbc: {  	s31 =	sshll.u32 s1, $0xD;
	s1 =	sshrl.u32 s1, $0x2  }
0xbd: {  	s3 =	sand.u32 $0x4000, s31;
	s1 =	sadd.s32 s1, s30  }
0xbe: {  	s0 =	sor.u32 s3, s0;
	s1 =	sshll.u32 s1, $0x11  }
0xbf: {  	s0 =	sor.u32 s1, s0  }
0xc0: {  	s0 =	sadd.s32 $0x8F2B, s0  }
0xc1: {  	[sflag:s0] =	ssyncadd.remote.s32 $0x1  }
0xc2: {  	_ =	sfence.sel $0xFFFF  }
0xc3: {  	[dreg:$0x0] =	wrdreg $0xFFFFFFFF;
	(pc) =	sbr.abs _section_cstart, $3  }
0xc4: {  	[dreg:$0x1] =	wrdreg $0xFFFFFFFF  }
0xc5: {  	_ =	task.clear_ibuf [dreg:s9], $0x2FFFF;
	_ =	strace $0x9FFFFFFF  }
0xc6: {  	(tm) =	ssettm $0x7FFFFFFF  }
0xc7: {  	_ =	shalt  }
tec
execute0_lowered:
.L_overlay_start_1:
0x0: {  	(tag) =	ssettag $0x1  }
0x1: {  	s5 =	rddreg [dreg:$0x0]  }
0x2: {  	s1 =	rddreg [dreg:$0x1]  }
0x3: {  	s4 =	rddreg [dreg:$0x2]  }
0x4: {  	s9 =	rddreg [dreg:$0x3]  }
0x5: {  	s0 =	rddreg [dreg:$0x4];
	s3 =	simm.s32 $0x0;
	s2 =	stileid.u32  }
0x6: {  	s6 =	srdreg.scid;
	s14 =	simm.s32 $0x200;
	s15 =	simm.s32 $0x100  }
0x7: {  	s16 =	simm.s32 $0x4100;
	s17 =	simm.s32 $0x8100;
	s18 =	simm.s32 $0xC100  }
0x8: {  	s19 =	simm.s32 $0x1;
	s20 =	simm.s32 $0x3;
	s22 =	simm.s32 $0x2  }
0x9: {  	s23 =	simm.s32 $0x4;
	s24 =	simm.s32 $0x5;
	s25 =	simm.s32 $0x0  }
0xa: {  	[smem:$0x7FF] =	sst s3;
	s8 =	sadd.s32 $0x600, s4;
	s4 =	sadd.s32 $0x400, s4  }
0xb: {  	s7 =	sshll.u32 s2, $0x1;
	s6 =	sand.u32 $0x1, s6;
	s10 =	sshrl.u32 s2, $0x2  }
0xc: {  	_ =	strace $0x80000047;
	s7 =	sand.u32 $0x6, s7;
	s11 =	ssub.s32 $0x2, s6  }
0xd: {  	s31 =	sshll.u32 s10, $0x4;
	s10 =	sshll.u32 s10, $0xF;
	s6 =	sor.u32 s6, s7  }
0xe: {  	s12 =	sshrl.u32 s11, $0x1;
	s5 =	sadd.s32 s5, s31;
	s9 =	sadd.s32 s9, s10  }
0xf: {  	s13 =	sshll.u32 s6, $0x7;
	s11 =	ssub.s32 s11, s12;
	s21 =	sshll.u32 s6, $0xC  }
0x10: {  	s12 =	simm.s32 $0x6;
	s5 =	sadd.s32 s13, s5;
	s6 =	sadd.s32 s8, s21  }
0x11: {  	s7 =	sor.u32 $0x800, s21;
	s10 =	smax.u32 s11, $0x1;
	s11 =	simm.s32 $0x10100  }
0x12: {  	s13 =	simm.s32 $0x80;
	s21 =	sadd.s32 s21, s9;
	s8 =	sadd.s32 s8, s7  }
.LBB2_1:
0x13: {  	[tilespmem:s11], [sflag:$0x6] =	stream.linear.gather [hbm4b:s4+s3], $0x1, $0x38;
	[tilespmem:$0x10180] =	vst v63  }
0x14: {  	_ =	swait.ge [sflag:s12], $0x1  }
0x15: {  	[sflag:s12] =	ssyncset.done $0x0  }
0x16: {  	[sflag:s12] =	ssyncadd.s32 $0xFFFFFFFF  }
0x17: {  	v0 =	vld.msk [tilespmem:$0x10100 ss:$0x0], $0xffff;
	[tilespmem:s3], [sflag:$0x6] =	stream.strided.gather [hbm4b:s5+s13], $0x100, s14, s13, $0x38  }
0x18: {  	_ =	swait.ge [sflag:s12], $0x100  }
0x19: {  	[sflag:s12] =	ssyncset.done $0x0  }
0x1a: {  	[sflag:s12] =	ssyncadd.s32 $0xFFFFFF00  }
0x1b: {  	[tilespmem:s15], [sflag:$0x1] =	stream.indirect.gather [hbm4b:s1+s13], $0x80, s3, s13, $0xb8;
	[tilespmem:$0x10180] =	vst v63  }
0x1c: {  	_ = 	snop  }
0x1d: {  	[tilespmem:s16], [sflag:$0x2] =	stream.indirect.gather [hbm4b:s1+s13], $0x80, s13, s13, $0xb8;
	[tilespmem:$0x10180] =	vst v63  }
0x1e: {  	_ = 	snop  }
0x1f: {  	[tilespmem:s17], [sflag:$0x3] =	stream.linear.gather [hbm4b:s6+s3], $0x4000, $0x38;
	[tilespmem:$0x10180] =	vst v63  }
0x20: {  	_ = 	snop  }
0x21: {  	[tilespmem:s18], [sflag:$0x4] =	stream.linear.gather [hbm4b:s8+s3], $0x4000, $0x38;
	[tilespmem:$0x10180] =	vst v63  }
0x22: {  	_ =	swait.ge [sflag:s19], $0x4000  }
0x23: {  	[sflag:s19] =	ssyncset.done $0x0  }
0x24: {  	[sflag:s19] =	ssyncadd.s32 $0xFFFFC000  }
0x25: {  	_ =	swait.ge [sflag:s20], $0x4000  }
0x26: {  	[sflag:s20] =	ssyncset.done $0x0  }
0x27: {  	s26 =	simm.s32 $0x0;
	s28 =	simm.s32 $0x200;
	[sflag:s20] =	ssyncadd.s32 $0xFFFFC000  }
.LBB2_2:
0x28: {  	p0 =	sne.s32 s28, $0xFE00;
	v1 =	vld [tilespmem:s26+$0x170]  }
0x29: {  	v2 =	vld [tilespmem:s26+$0x100]  }
0x2a: {  	v3 =	vld [tilespmem:s26+$0x110]  }
0x2b: {  	v4 =	vld [tilespmem:s26+$0x120]  }
0x2c: {  	v5 =	vld [tilespmem:s26+$0x130]  }
0x2d: {  	v6 =	vld [tilespmem:s26+$0x140];
	v1 =	vmul.f32 v1, v0  }
0x2e: {  	v2 =	vmul.f32 v2, v0;
	v7 =	vld [tilespmem:s26+$0x150]  }
0x2f: {  	v3 =	vmul.f32 v3, v0;
	[tilespmem:s26+$0x8170] =	vst.add.f32.msk $0xffff, v1  }
0x30: {  	v1 =	vmul.f32 v4, v0;
	v4 =	vld [tilespmem:s26+$0x160]  }
0x31: {  	[tilespmem:s26+$0x8100] =	vst.add.f32.msk $0xffff, v2;
	v2 =	vmul.f32 v5, v0  }
0x32: {  	[tilespmem:s26+$0x8110] =	vst.add.f32.msk $0xffff, v3;
	v3 =	vmul.f32 v6, v0  }
.Ltmp0:
0x33: {  	[tilespmem:s26+$0x8120] =	vst.add.f32.msk $0xffff, v1;
	v1 =	vmul.f32 v7, v0;
	(pc) =	sbr.rel @p0 .LBB2_2-.Ltmp0, $4  }
0x34: {  	[tilespmem:s26+$0x8130] =	vst.add.f32.msk $0xffff, v2  }
0x35: {  	[tilespmem:s26+$0x8140] =	vst.add.f32.msk $0xffff, v3;
	v2 =	vmul.f32 v4, v0  }
0x36: {  	[tilespmem:s26+$0x8150] =	vst.add.f32.msk $0xffff, v1  }
0x37: {  	[tilespmem:s26+$0x8160] =	vst.add.f32.msk $0xffff, v2;
	s26 =	sshra.s32 s28, $0x2;
	s28 =	sadd.s32 $0x200, s28  }
0x38: {  	v1 =	vld [tilespmem:s26+$0x170]  }
0x39: {  	v2 =	vld [tilespmem:s26+$0x100]  }
0x3a: {  	v3 =	vld [tilespmem:s26+$0x110]  }
0x3b: {  	v4 =	vld [tilespmem:s26+$0x120]  }
0x3c: {  	v5 =	vld [tilespmem:s26+$0x130]  }
0x3d: {  	v7 =	vld [tilespmem:s26+$0x150];
	v1 =	vmul.f32 v1, v0  }
0x3e: {  	v6 =	vld [tilespmem:s26+$0x140]  }
0x3f: {  	v2 =	vmul.f32 v2, v0;
	[tilespmem:s26+$0x8170] =	vst.add.f32.msk $0xffff, v1  }
0x40: {  	v4 =	vmul.f32 v4, v0;
	v1 =	vmul.f32 v3, v0;
	v3 =	vld [tilespmem:s26+$0x160]  }
0x41: {  	[tilespmem:s26+$0x8100] =	vst.add.f32.msk $0xffff, v2  }
0x42: {  	v63 =	vmul.f32 v7, v0;
	[tilespmem:s26+$0x8120] =	vst.add.f32.msk $0xffff, v4  }
0x43: {  	[tilespmem:s26+$0x8110] =	vst.add.f32.msk $0xffff, v1;
	v1 =	vmul.f32 v6, v0  }
0x44: {  	v2 =	vmul.f32 v5, v0;
	[tilespmem:s26+$0x8150] =	vst.add.f32.msk $0xffff, v63  }
0x45: {  	[tilespmem:s26+$0x8140] =	vst.add.f32.msk $0xffff, v1;
	v1 =	vmul.f32 v3, v0  }
0x46: {  	[tilespmem:s26+$0x8130] =	vst.add.f32.msk $0xffff, v2  }
0x47: {  	s31 =	simm.s32 $0x0;
	[tilespmem:s26+$0x8160] =	vst.add.f32.msk $0xffff, v1  }
0x48: {  	[hbm4b:s21+s31] =	stream.linear.scatter [tilespmem:s17], [sflag:$0x5], $0x4000, $0x38;
	[tilespmem:$0x10180] =	vst v63  }
0x49: {  	_ =	swait.ge [sflag:s22], $0x4000  }
0x4a: {  	[sflag:s22] =	ssyncset.done $0x0  }
0x4b: {  	[sflag:s22] =	ssyncadd.s32 $0xFFFFC000  }
0x4c: {  	_ =	swait.ge [sflag:s23], $0x4000  }
0x4d: {  	[sflag:s23] =	ssyncset.done $0x0  }
0x4e: {  	s28 =	simm.s32 $0x200;
	s26 =	simm.s32 $0x0;
	[sflag:s23] =	ssyncadd.s32 $0xFFFFC000  }
.LBB2_4:
0x4f: {  	p0 =	sne.s32 s28, $0xFE00;
	v1 =	vld [tilespmem:s26+$0x4170]  }
0x50: {  	v2 =	vld [tilespmem:s26+$0x4100]  }
0x51: {  	v3 =	vld [tilespmem:s26+$0x4110]  }
0x52: {  	v4 =	vld [tilespmem:s26+$0x4120]  }
0x53: {  	v5 =	vld [tilespmem:s26+$0x4130]  }
0x54: {  	v6 =	vld [tilespmem:s26+$0x4140];
	v1 =	vmul.f32 v1, v0  }
0x55: {  	v2 =	vmul.f32 v2, v0;
	v7 =	vld [tilespmem:s26+$0x4150]  }
0x56: {  	v3 =	vmul.f32 v3, v0;
	[tilespmem:s26+$0xC170] =	vst.add.f32.msk $0xffff, v1  }
0x57: {  	v1 =	vmul.f32 v4, v0;
	v4 =	vld [tilespmem:s26+$0x4160]  }
0x58: {  	[tilespmem:s26+$0xC100] =	vst.add.f32.msk $0xffff, v2;
	v2 =	vmul.f32 v5, v0  }
0x59: {  	[tilespmem:s26+$0xC110] =	vst.add.f32.msk $0xffff, v3;
	v3 =	vmul.f32 v6, v0  }
.Ltmp1:
0x5a: {  	[tilespmem:s26+$0xC120] =	vst.add.f32.msk $0xffff, v1;
	v1 =	vmul.f32 v7, v0;
	(pc) =	sbr.rel @p0 .LBB2_4-.Ltmp1, $4  }
0x5b: {  	[tilespmem:s26+$0xC130] =	vst.add.f32.msk $0xffff, v2  }
0x5c: {  	[tilespmem:s26+$0xC140] =	vst.add.f32.msk $0xffff, v3;
	v2 =	vmul.f32 v4, v0  }
0x5d: {  	[tilespmem:s26+$0xC150] =	vst.add.f32.msk $0xffff, v1  }
0x5e: {  	[tilespmem:s26+$0xC160] =	vst.add.f32.msk $0xffff, v2;
	s26 =	sshra.s32 s28, $0x2;
	s28 =	sadd.s32 $0x200, s28  }
0x5f: {  	v1 =	vld [tilespmem:s26+$0x4170]  }
0x60: {  	v2 =	vld [tilespmem:s26+$0x4100]  }
0x61: {  	v3 =	vld [tilespmem:s26+$0x4110]  }
0x62: {  	v4 =	vld [tilespmem:s26+$0x4120]  }
0x63: {  	v5 =	vld [tilespmem:s26+$0x4130]  }
0x64: {  	v6 =	vld [tilespmem:s26+$0x4140]  }
0x65: {  	v7 =	vld [tilespmem:s26+$0x4150];
	v1 =	vmul.f32 v1, v0  }
0x66: {  	v59 =	vld [tilespmem:s26+$0x4160];
	v2 =	vmul.f32 v2, v0  }
0x67: {  	v58 =	vmul.f32 v3, v0;
	[tilespmem:s26+$0xC170] =	vst.add.f32.msk $0xffff, v1  }
0x68: {  	v4 =	vmul.f32 v4, v0;
	[tilespmem:s26+$0xC100] =	vst.add.f32.msk $0xffff, v2  }
0x69: {  	v60 =	vmul.f32 v5, v0;
	[tilespmem:s26+$0xC110] =	vst.add.f32.msk $0xffff, v58  }
0x6a: {  	v61 =	vmul.f32 v6, v0;
	[tilespmem:s26+$0xC120] =	vst.add.f32.msk $0xffff, v4  }
0x6b: {  	v62 =	vmul.f32 v7, v0;
	[tilespmem:s26+$0xC130] =	vst.add.f32.msk $0xffff, v60  }
0x6c: {  	v63 =	vmul.f32 v59, v0;
	[tilespmem:s26+$0xC140] =	vst.add.f32.msk $0xffff, v61  }
0x6d: {  	[tilespmem:s26+$0xC150] =	vst.add.f32.msk $0xffff, v62  }
0x6e: {  	s31 =	sadd.s32 s7, s9;
	s25 =	sadd.s32 $0x1, s25;
	[tilespmem:s26+$0xC160] =	vst.add.f32.msk $0xffff, v63  }
0x6f: {  	[hbm4b:s31+s3] =	stream.linear.scatter [tilespmem:s18], [sflag:$0x5], $0x4000, $0x38;
	[tilespmem:$0x10180] =	vst v63  }
0x70: {  	p0 =	sne.s32 s25, s10;
	_ =	swait.ge [sflag:s24], $0x4000  }
.Ltmp2:
0x71: {  	[sflag:s24] =	ssyncset.done $0x0;
	(pc) =	sbr.rel @p0 .LBB2_1-.Ltmp2, $4  }
0x72: {  	[sflag:s24] =	ssyncadd.s32 $0xFFFFC000  }
0x73: {  	_ =	swait.ge [sflag:s24], $0x4000  }
0x74: {  	[sflag:s24] =	ssyncset.done $0x0  }
0x75: {  	[sflag:s24] =	ssyncadd.s32 $0xFFFFC000  }
0x76: {  	_ =	sfence.sel $0x180000  }
0x77: {  	[bflag:$0x0] =	sbarrier.arrive $0xFFFF  }
0x78: {  	p0 =	sne.s32 s2, $0x0;
	_ =	strace $0x90000047  }
0x79: {  	s0 =	sadd.s32 @!p0 $0x100000, s0;
	[bflag:$0x2] =	sbarrier.arrive $0xFFFF  }
0x7a: {  	[sflag:s0] =	ssyncadd.tile.s32 @!p0 $0x1;
	_ =	shalt  }
.Lfunc_end2:
_tile_overlayer_lowered:
.L_overlay_start_2:
0x7b: {  	(tag) =	ssettag $0x2  }
0x7c: {  	s0 =	rddreg [dreg:$0x0];
	s2 =	stileid.u32  }
0x7d: {  	s1 =	rddreg [dreg:$0x1];
	p0 =	sne.s32 s2, $0x0  }
0x7e: {  	s3 =	rddreg [dreg:$0x2];
	[bflag:$0x3] =	sbarrier.arrive $0xFFFF;
	s2 =	simm.s32 @!p0 $0x1C06  }
0x7f: {  	[timem:s3], [sflag:s2] =	dma.local @!p0 [hbm:s0], s1  }
0x80: {  	s0 =	simm.s32 @!p0 $0x6  }
0x81: {  	_ =	swait.ge @!p0 [sflag:s0], s1  }
0x82: {  	s1 =	ssub.s32 @!p0 $0x0, s1;
	[sflag:s0] =	ssyncset.done @!p0 $0x0  }
0x83: {  	[sflag:s0] =	ssyncadd.s32 @!p0 s1  }
0x84: {  	[bflag:$0x3] =	sbarrier.arrive $0xFFFF  }
0x85: {  	_ =	shalt  }

</sc_bundles>
